<compile_context>
chip_gen: v7x
topology: tpu7x:2x2x1
jax: 0.10.2.dev20260603
libtpu: 0.0.44.dev20260713+nightly
codegen_flags: <defaults>
</compile_context>

<pallas_src>
import functools

import jax
import jax.numpy as jnp
from jax import lax
from jax.experimental import pallas as pl
from jax.experimental.pallas import tpu as pltpu
from jax.experimental.pallas import tpu_sc as plsc

B, T, D_IN, D_H, K = 16, 1024, 256, 64, 8192
N = B * T

R = 256
CB_CHUNK = 2048


def _encode_argmin_body(x_ref, w1_ref, b1_ref, w2_ref, b2_ref, cb_ref, idx_ref):
    x = x_ref[...]
    h = jnp.tanh(
        jnp.dot(x, w1_ref[...], preferred_element_type=jnp.float32)
        + b1_ref[...])
    hb = h.astype(jnp.bfloat16).astype(jnp.float32)
    z = (jnp.dot(hb, w2_ref[...], preferred_element_type=jnp.float32)
         + b2_ref[...])
    zn = jnp.sum(z * z, axis=1, keepdims=True)
    zb = z.astype(jnp.bfloat16).astype(jnp.float32)

    best_d = jnp.full((R,), jnp.inf, dtype=jnp.float32)
    best_i = jnp.zeros((R,), dtype=jnp.int32)
    ones_row = jnp.ones((1, D_H), dtype=jnp.float32)
    for c in range(0, K, CB_CHUNK):
        cb = cb_ref[pl.ds(c, CB_CHUNK), :]
        cbn = lax.dot_general(ones_row, cb * cb,
                              (((1,), (1,)), ((), ())),
                              preferred_element_type=jnp.float32)
        sc = lax.dot_general(zb, cb, (((1,), (1,)), ((), ())),
                             preferred_element_type=jnp.float32)
        d = zn - 2.0 * sc + cbn
        m = jnp.min(d, axis=1, keepdims=True)
        ii = lax.broadcasted_iota(jnp.int32, (R, CB_CHUNK), 1) + c
        li = jnp.min(jnp.where(d <= m, ii, jnp.int32(2**30)), axis=1)
        mrow = m[:, 0]
        upd = mrow < best_d
        best_i = jnp.where(upd, li, best_i)
        best_d = jnp.where(upd, mrow, best_d)

    idx_ref[...] = best_i.reshape(1, 1, R)


def _encode_argmin(x2d, W1, b1, W2, b2, codebook):
    grid = (N // R,)
    out = pl.pallas_call(
        _encode_argmin_body,
        grid=grid,
        in_specs=[
            pl.BlockSpec((R, D_IN), lambda i: (i, 0)),
            pl.BlockSpec((D_IN, D_H), lambda i: (0, 0)),
            pl.BlockSpec((1, D_H), lambda i: (0, 0)),
            pl.BlockSpec((D_H, D_H), lambda i: (0, 0)),
            pl.BlockSpec((1, D_H), lambda i: (0, 0)),
            pl.BlockSpec((K, D_H), lambda i: (0, 0)),
        ],
        out_specs=pl.BlockSpec((1, 1, R), lambda i: (i, 0, 0)),
        out_shape=jax.ShapeDtypeStruct((N // R, 1, R), jnp.int32),
    )(x2d, W1, b1.reshape(1, D_H), W2, b2.reshape(1, D_H), codebook)
    return out.reshape(N)


_NC, _NS = 2, 16
_NW = _NC * _NS
_BPW = N // _NW
_DPAD = 128


def _sc_gather_body(table_hbm, idx_hbm, out_hbm, idx_v, rows_v, sem):
    wid = lax.axis_index("s") * _NC + lax.axis_index("c")
    base = wid * _BPW
    pltpu.sync_copy(idx_hbm.at[pl.ds(base, _BPW)], idx_v)
    pltpu.async_copy(table_hbm.at[idx_v], rows_v, sem).wait()
    pltpu.sync_copy(rows_v, out_hbm.at[pl.ds(base, _BPW)])


def _sc_gather(codebook_padded, idx):
    mesh = plsc.VectorSubcoreMesh(core_axis_name="c", subcore_axis_name="s",
                                  num_cores=_NC)
    f = functools.partial(
        pl.kernel,
        mesh=mesh,
        out_type=jax.ShapeDtypeStruct((N, _DPAD), jnp.float32),
        scratch_types=[
            pltpu.VMEM((_BPW,), jnp.int32),
            pltpu.VMEM((_BPW, _DPAD), jnp.float32),
            pltpu.SemaphoreType.DMA,
        ],
    )(_sc_gather_body)
    return f(codebook_padded, idx)


def kernel(x, W1, b1, W2, b2, codebook):
    x2d = x.reshape(N, D_IN)
    z_id = _encode_argmin(x2d, W1, b1, W2, b2, codebook)
    cb_pad = jnp.pad(codebook, ((0, 0), (0, _DPAD - D_H)))
    z_q = _sc_gather(cb_pad, z_id)[:, :D_H]
    return z_q.reshape(B, T, D_H), z_id.reshape(B, T)

# --- scband reference (transcript-rebuilt; emitter-appended) ---
"""Pipeline reference for scband-simple-quantized-encoding-module-27625229648015 (READ-ONLY COPY).

The authoritative reference and input builder live on the scoring server;
editing this copy changes nothing except your own understanding.
"""

import jax, jax.numpy as jnp
import numpy as np


def setup_inputs(seed: int = 0) -> dict:
    key = jax.random.key(seed)
    k_x, k_w1, k_w2, k_cb = jax.random.split(key, 4)
    B, T, D_in, D_h, K = 16, 1024, 256, 64, 8192
    x = jax.random.normal(k_x, (B, T, D_in), dtype=jnp.float32)
    W1 = jax.random.normal(k_w1, (D_in, D_h), dtype=jnp.float32) * (1.0 / np.sqrt(D_in))
    b1 = jnp.zeros((D_h,), dtype=jnp.float32)
    W2 = jax.random.normal(k_w2, (D_h, D_h), dtype=jnp.float32) * (1.0 / np.sqrt(D_h))
    b2 = jnp.zeros((D_h,), dtype=jnp.float32)
    codebook = jax.random.normal(k_cb, (K, D_h), dtype=jnp.float32) * (1.0 / np.sqrt(K))
    return {"x": x, "W1": W1, "b1": b1, "W2": W2, "b2": b2, "codebook": codebook}


def reference(x, W1, b1, W2, b2, codebook):
    # MLP: Linear(input_dim, hidden) -> tanh -> Linear(hidden, hidden), last_activation=False
    h = jnp.tanh(jnp.dot(x, W1) + b1)
    z = jnp.dot(h, W2) + b2
    # VectorQuantizer (vq-multistage, stage 3, eval): nearest-codebook lookup
    D_h = z.shape[-1]
    flat = z.reshape(-1, D_h)
    # squared L2 distances: ||z||^2 - 2 z e^T + ||e||^2
    dist = (jnp.sum(flat * flat, axis=1, keepdims=True)
            - 2.0 * jnp.dot(flat, codebook.T)
            + jnp.sum(codebook * codebook, axis=1)[None, :])
    z_id = jnp.argmin(dist, axis=1)
    z_q = jnp.take(codebook, z_id, axis=0).reshape(z.shape)
    z_id = z_id.reshape(z.shape[:-1])
    return z_q, z_id

if __name__ == "__main__":
    import jax
    _d = setup_inputs()
    print(jax.jit(kernel)(*tuple(_d.values())))

</pallas_src>

<mosaic_0001>
#map = affine_map<(d0, d1) -> (0, 0)>
#map1 = affine_map<(d0, d1) -> (0)>
module attributes {stable_mosaic.version = 14 : i64} {
  func.func @_sc_gather_body(%arg0: i32, %arg1: i32, %arg2: memref<8192x128xf32, #tpu.memory_space<hbm>>, %arg3: memref<16384xi32, #tpu.memory_space<hbm>>, %arg4: memref<16384x128xf32, #tpu.memory_space<hbm>>, %arg5: memref<512xi32, #tpu.memory_space<vmem>>, %arg6: memref<512x128xf32, #tpu.memory_space<vmem>>, %arg7: memref<!tpu.dma_semaphore, #tpu.memory_space<semaphore_mem>>) attributes {dimension_semantics = [#tpu.dimension_semantics<core_parallel>, #tpu.dimension_semantics<subcore_parallel>], iteration_bounds = array<i64: 2, 16>, scalar_prefetch = 0 : i64, scratch_operands = 3 : i64, tpu.core_type = #tpu.core_type<sc_vector_subcore>, window_params = [{transform_indices = #map}, {transform_indices = #map1}, {transform_indices = #map}]} {
    %mul3A = arith.constant 2 : i32
    %mul3A_0 = arith.muli %arg1, %mul3A : i32
    %add3A = arith.addi %mul3A_0, %arg0 : i32
    %mul3A_1 = arith.constant 512 : i32
    %mul3A_2 = arith.muli %add3A, %mul3A_1 : i32
    "tpu.region"() ({
      %run_scoped3A = tpu.sem_alloc : memref<!tpu.dma_semaphore, #tpu.memory_space<semaphore_mem>>
      %dma_start3A_7 = tpu.memref_slice %arg3[%mul3A_2] : memref<16384xi32, #tpu.memory_space<hbm>> -> memref<512xi32, #tpu.memory_space<hbm>>
      %dma_start3A_8 = tpu.memref_slice %arg3[%mul3A_2] : memref<16384xi32, #tpu.memory_space<hbm>> -> memref<512xi32, #tpu.memory_space<hbm>>
      tpu.enqueue_dma source(%dma_start3A_8 : memref<512xi32, #tpu.memory_space<hbm>>) target(%arg5 : memref<512xi32, #tpu.memory_space<vmem>>) target_semaphore(%run_scoped3A : memref<!tpu.dma_semaphore, #tpu.memory_space<semaphore_mem>>)
      %dma_wait3A_9 = tpu.memref_slice %arg3[%mul3A_2] : memref<16384xi32, #tpu.memory_space<hbm>> -> memref<512xi32, #tpu.memory_space<hbm>>
      %dma_wait3A_10 = tpu.memref_slice %arg3[%mul3A_2] : memref<16384xi32, #tpu.memory_space<hbm>> -> memref<512xi32, #tpu.memory_space<hbm>>
      tpu.wait_dma2 semaphore(%run_scoped3A : memref<!tpu.dma_semaphore, #tpu.memory_space<semaphore_mem>>) src(%dma_wait3A_10 : memref<512xi32, #tpu.memory_space<hbm>>) dst(%arg5 : memref<512xi32, #tpu.memory_space<vmem>>)
      tpu.yield
    }) : () -> ()
    %dma_start3A = arith.constant 0 : i32
    %dma_start3A_3 = arith.constant 0 : i32
    %dma_start3A_4 = tpu.memref_slice %arg2[%dma_start3A, %dma_start3A_3] : memref<8192x128xf32, #tpu.memory_space<hbm>> -> memref<8192x128xf32, #tpu.memory_space<hbm>>
    tpu.enqueue_indirect_dma source(%dma_start3A_4 : memref<8192x128xf32, #tpu.memory_space<hbm>>) target(%arg6 : memref<512x128xf32, #tpu.memory_space<vmem>>) offsets(%arg5 : memref<512xi32, #tpu.memory_space<vmem>>) semaphore(%arg7 : memref<!tpu.dma_semaphore, #tpu.memory_space<semaphore_mem>>)
    %dma_wait3A = arith.constant 0 : i32
    %dma_wait3A_5 = arith.constant 0 : i32
    %dma_wait3A_6 = tpu.memref_slice %arg2[%dma_wait3A, %dma_wait3A_5] : memref<8192x128xf32, #tpu.memory_space<hbm>> -> memref<8192x128xf32, #tpu.memory_space<hbm>>
    tpu.wait_indirect_dma semaphore(%arg7 : memref<!tpu.dma_semaphore, #tpu.memory_space<semaphore_mem>>) src(%dma_wait3A_6 : memref<8192x128xf32, #tpu.memory_space<hbm>>) dst(%arg6 : memref<512x128xf32, #tpu.memory_space<vmem>>)
    "tpu.region"() ({
      %run_scoped3A = tpu.sem_alloc : memref<!tpu.dma_semaphore, #tpu.memory_space<semaphore_mem>>
      %dma_start3A_7 = arith.constant 0 : i32
      %dma_start3A_8 = tpu.memref_slice %arg4[%mul3A_2, %dma_start3A_7] : memref<16384x128xf32, #tpu.memory_space<hbm>> -> memref<512x128xf32, #tpu.memory_space<hbm>>
      %dma_start3A_9 = arith.constant 0 : i32
      %dma_start3A_10 = tpu.memref_slice %arg4[%mul3A_2, %dma_start3A_9] : memref<16384x128xf32, #tpu.memory_space<hbm>> -> memref<512x128xf32, #tpu.memory_space<hbm>>
      tpu.enqueue_dma source(%arg6 : memref<512x128xf32, #tpu.memory_space<vmem>>) target(%dma_start3A_10 : memref<512x128xf32, #tpu.memory_space<hbm>>) target_semaphore(%run_scoped3A : memref<!tpu.dma_semaphore, #tpu.memory_space<semaphore_mem>>)
      %dma_wait3A_11 = arith.constant 0 : i32
      %dma_wait3A_12 = tpu.memref_slice %arg4[%mul3A_2, %dma_wait3A_11] : memref<16384x128xf32, #tpu.memory_space<hbm>> -> memref<512x128xf32, #tpu.memory_space<hbm>>
      %dma_wait3A_13 = arith.constant 0 : i32
      %dma_wait3A_14 = tpu.memref_slice %arg4[%mul3A_2, %dma_wait3A_13] : memref<16384x128xf32, #tpu.memory_space<hbm>> -> memref<512x128xf32, #tpu.memory_space<hbm>>
      tpu.wait_dma2 semaphore(%run_scoped3A : memref<!tpu.dma_semaphore, #tpu.memory_space<semaphore_mem>>) src(%arg6 : memref<512x128xf32, #tpu.memory_space<vmem>>) dst(%dma_wait3A_14 : memref<512x128xf32, #tpu.memory_space<hbm>>)
      tpu.yield
    }) : () -> ()
    return
  }
}

module attributes {stable_mosaic.version = 14 : i64} {
  func.func @_encode_argmin_body(%arg0: i32, %arg1: memref<256x256xf32, #tpu.memory_space<vmem>>, %arg2: memref<256x64xf32, #tpu.memory_space<vmem>>, %arg3: memref<1x64xf32, #tpu.memory_space<vmem>>, %arg4: memref<64x64xf32, #tpu.memory_space<vmem>>, %arg5: memref<1x64xf32, #tpu.memory_space<vmem>>, %arg6: memref<8192x64xf32, #tpu.memory_space<vmem>>, %arg7: memref<1x1x256xi32, #tpu.memory_space<vmem>>) attributes {dimension_semantics = [#tpu.dimension_semantics<arbitrary>], iteration_bounds = array<i64: 64>, scalar_prefetch = 0 : i64, scratch_operands = 0 : i64, tpu.core_type = #tpu.core_type<tc>, window_params = [{transform_indices = @transform_0, window_bounds = array<i64: 256, 256>}, {pipeline_mode = #tpu.pipeline_mode<synchronous>, transform_indices = @transform_1, window_bounds = array<i64: 256, 64>}, {pipeline_mode = #tpu.pipeline_mode<synchronous>, transform_indices = @transform_2, window_bounds = array<i64: 1, 64>}, {pipeline_mode = #tpu.pipeline_mode<synchronous>, transform_indices = @transform_3, window_bounds = array<i64: 64, 64>}, {pipeline_mode = #tpu.pipeline_mode<synchronous>, transform_indices = @transform_4, window_bounds = array<i64: 1, 64>}, {pipeline_mode = #tpu.pipeline_mode<synchronous>, transform_indices = @transform_5, window_bounds = array<i64: 8192, 64>}, {transform_indices = @transform_6, window_bounds = array<i64: 1, 1, 256>}]} {
    %get3A = arith.constant 0 : index
    %get3A_0 = arith.constant 0 : index
    %get3A_1 = vector.load %arg1[%get3A, %get3A_0] : memref<256x256xf32, #tpu.memory_space<vmem>>, vector<256x256xf32>
    %get3A_2 = arith.constant 0 : index
    %get3A_3 = arith.constant 0 : index
    %get3A_4 = vector.load %arg2[%get3A_2, %get3A_3] : memref<256x64xf32, #tpu.memory_space<vmem>>, vector<256x64xf32>
    %dot_general3A = arith.constant dense<0.000000e+00> : vector<256x64xf32>
    %dot_general3A_5 = tpu.matmul %get3A_1, %get3A_4, %dot_general3A {dimension_numbers = #tpu.dot_dimension_numbers<[1], [0], [0], [1], [0, 0, 1, 1], [], []>, transpose_lhs_hint = false} : vector<256x256xf32>, vector<256x64xf32>, vector<256x64xf32> -> vector<256x64xf32>
    %get3A_6 = arith.constant 0 : index
    %get3A_7 = arith.constant 0 : index
    %get3A_8 = vector.load %arg3[%get3A_6, %get3A_7] : memref<1x64xf32, #tpu.memory_space<vmem>>, vector<1x64xf32>
    %add3A = vector.broadcast %get3A_8 : vector<1x64xf32> to vector<256x64xf32>
    %add3A_9 = arith.addf %dot_general3A_5, %add3A : vector<256x64xf32>
    %tanh3A = math.tanh %add3A_9 : vector<256x64xf32>
    %convert_element_type3A = arith.truncf %tanh3A : vector<256x64xf32> to vector<256x64xbf16>
    %convert_element_type3A_10 = arith.extf %convert_element_type3A : vector<256x64xbf16> to vector<256x64xf32>
    %get3A_11 = arith.constant 0 : index
    %get3A_12 = arith.constant 0 : index
    %get3A_13 = vector.load %arg4[%get3A_11, %get3A_12] : memref<64x64xf32, #tpu.memory_space<vmem>>, vector<64x64xf32>
    %dot_general3A_14 = arith.constant dense<0.000000e+00> : vector<256x64xf32>
    %dot_general3A_15 = tpu.matmul %convert_element_type3A_10, %get3A_13, %dot_general3A_14 {dimension_numbers = #tpu.dot_dimension_numbers<[1], [0], [0], [1], [0, 0, 1, 1], [], []>, transpose_lhs_hint = false} : vector<256x64xf32>, vector<64x64xf32>, vector<256x64xf32> -> vector<256x64xf32>
    %get3A_16 = arith.constant 0 : index
    %get3A_17 = arith.constant 0 : index
    %get3A_18 = vector.load %arg5[%get3A_16, %get3A_17] : memref<1x64xf32, #tpu.memory_space<vmem>>, vector<1x64xf32>
    %add3A_19 = vector.broadcast %get3A_18 : vector<1x64xf32> to vector<256x64xf32>
    %add3A_20 = arith.addf %dot_general3A_15, %add3A_19 : vector<256x64xf32>
    %mul3A = arith.mulf %add3A_20, %add3A_20 : vector<256x64xf32>
    %reduce_sum3A = arith.constant dense<0.000000e+00> : vector<256xf32>
    %reduce_sum3A_21 = vector.multi_reduction <add>, %mul3A, %reduce_sum3A [1] : vector<256x64xf32> to vector<256xf32>
    %broadcast_in_dim3A = vector.shape_cast %reduce_sum3A_21 : vector<256xf32> to vector<256x1xf32>
    %convert_element_type3A_22 = arith.truncf %add3A_20 : vector<256x64xf32> to vector<256x64xbf16>
    %convert_element_type3A_23 = arith.extf %convert_element_type3A_22 : vector<256x64xbf16> to vector<256x64xf32>
    %broadcast_in_dim3A_24 = arith.constant 0x7F800000 : f32
    %broadcast_in_dim3A_25 = vector.broadcast %broadcast_in_dim3A_24 : f32 to vector<256xf32>
    %broadcast_in_dim3A_26 = arith.constant 0 : i32
    %broadcast_in_dim3A_27 = vector.broadcast %broadcast_in_dim3A_26 : i32 to vector<256xi32>
    %broadcast_in_dim3A_28 = arith.constant 1.000000e+00 : f32
    %broadcast_in_dim3A_29 = vector.broadcast %broadcast_in_dim3A_28 : f32 to vector<1x64xf32>
    %get3A_30 = arith.constant 0 : index
    %get3A_31 = arith.constant 0 : index
    %get3A_32 = vector.load %arg6[%get3A_30, %get3A_31] : memref<8192x64xf32, #tpu.memory_space<vmem>>, vector<2048x64xf32>
    %mul3A_33 = arith.mulf %get3A_32, %get3A_32 : vector<2048x64xf32>
    %dot_general3A_34 = arith.constant dense<0.000000e+00> : vector<1x2048xf32>
    %dot_general3A_35 = tpu.matmul %broadcast_in_dim3A_29, %mul3A_33, %dot_general3A_34 {dimension_numbers = #tpu.dot_dimension_numbers<[1], [1], [0], [0], [0, 0, 1, 0], [], []>, transpose_lhs_hint = false} : vector<1x64xf32>, vector<2048x64xf32>, vector<1x2048xf32> -> vector<1x2048xf32>
    %dot_general3A_36 = arith.constant dense<0.000000e+00> : vector<256x2048xf32>
    %dot_general3A_37 = tpu.matmul %convert_element_type3A_23, %get3A_32, %dot_general3A_36 {dimension_numbers = #tpu.dot_dimension_numbers<[1], [1], [0], [0], [0, 0, 1, 0], [], []>, transpose_lhs_hint = false} : vector<256x64xf32>, vector<2048x64xf32>, vector<256x2048xf32> -> vector<256x2048xf32>
    %mul3A_38 = arith.constant 2.000000e+00 : f32
    %mul3A_39 = vector.broadcast %mul3A_38 : f32 to vector<256x2048xf32>
    %mul3A_40 = arith.mulf %mul3A_39, %dot_general3A_37 : vector<256x2048xf32>
    %sub3A = vector.broadcast %broadcast_in_dim3A : vector<256x1xf32> to vector<256x2048xf32>
    %sub3A_41 = arith.subf %sub3A, %mul3A_40 : vector<256x2048xf32>
    %add3A_42 = vector.broadcast %dot_general3A_35 : vector<1x2048xf32> to vector<256x2048xf32>
    %add3A_43 = arith.addf %sub3A_41, %add3A_42 : vector<256x2048xf32>
    %reduce_min3A = arith.constant dense<0x7F800000> : vector<256xf32>
    %reduce_min3A_44 = vector.multi_reduction <minimumf>, %add3A_43, %reduce_min3A [1] : vector<256x2048xf32> to vector<256xf32>
    %broadcast_in_dim3A_45 = vector.shape_cast %reduce_min3A_44 : vector<256xf32> to vector<256x1xf32>
    %iota3A = tpu.iota {dimensions = array<i32: 1>} : vector<256x2048xi32>
    %add3A_46 = arith.constant 0 : i32
    %add3A_47 = vector.broadcast %add3A_46 : i32 to vector<256x2048xi32>
    %add3A_48 = arith.addi %iota3A, %add3A_47 : vector<256x2048xi32>
    %le3A = vector.broadcast %broadcast_in_dim3A_45 : vector<256x1xf32> to vector<256x2048xf32>
    %le3A_49 = arith.cmpf ole, %add3A_43, %le3A : vector<256x2048xf32>
    %jit3A = arith.constant 1073741824 : i32
    %broadcast_in_dim3A_50 = vector.broadcast %jit3A : i32 to vector<256x2048xi32>
    %select_n3A = arith.select %le3A_49, %add3A_48, %broadcast_in_dim3A_50 : vector<256x2048xi1>, vector<256x2048xi32>
    %reduce_min3A_51 = arith.constant dense<2147483647> : vector<256xi32>
    %reduce_min3A_52 = vector.multi_reduction <minsi>, %select_n3A, %reduce_min3A_51 [1] : vector<256x2048xi32> to vector<256xi32>
    %squeeze3A = vector.shape_cast %broadcast_in_dim3A_45 : vector<256x1xf32> to vector<256xf32>
    %lt3A = arith.cmpf olt, %squeeze3A, %broadcast_in_dim3A_25 : vector<256xf32>
    %select_n3A_53 = arith.select %lt3A, %reduce_min3A_52, %broadcast_in_dim3A_27 : vector<256xi1>, vector<256xi32>
    %select_n3A_54 = arith.select %lt3A, %squeeze3A, %broadcast_in_dim3A_25 : vector<256xi1>, vector<256xf32>
    %get3A_55 = arith.constant 2048 : index
    %get3A_56 = arith.constant 0 : index
    %get3A_57 = vector.load %arg6[%get3A_55, %get3A_56] : memref<8192x64xf32, #tpu.memory_space<vmem>>, vector<2048x64xf32>
    %mul3A_58 = arith.mulf %get3A_57, %get3A_57 : vector<2048x64xf32>
    %dot_general3A_59 = arith.constant dense<0.000000e+00> : vector<1x2048xf32>
    %dot_general3A_60 = tpu.matmul %broadcast_in_dim3A_29, %mul3A_58, %dot_general3A_59 {dimension_numbers = #tpu.dot_dimension_numbers<[1], [1], [0], [0], [0, 0, 1, 0], [], []>, transpose_lhs_hint = false} : vector<1x64xf32>, vector<2048x64xf32>, vector<1x2048xf32> -> vector<1x2048xf32>
    %dot_general3A_61 = arith.constant dense<0.000000e+00> : vector<256x2048xf32>
    %dot_general3A_62 = tpu.matmul %convert_element_type3A_23, %get3A_57, %dot_general3A_61 {dimension_numbers = #tpu.dot_dimension_numbers<[1], [1], [0], [0], [0, 0, 1, 0], [], []>, transpose_lhs_hint = false} : vector<256x64xf32>, vector<2048x64xf32>, vector<256x2048xf32> -> vector<256x2048xf32>
    %mul3A_63 = arith.constant 2.000000e+00 : f32
    %mul3A_64 = vector.broadcast %mul3A_63 : f32 to vector<256x2048xf32>
    %mul3A_65 = arith.mulf %mul3A_64, %dot_general3A_62 : vector<256x2048xf32>
    %sub3A_66 = vector.broadcast %broadcast_in_dim3A : vector<256x1xf32> to vector<256x2048xf32>
    %sub3A_67 = arith.subf %sub3A_66, %mul3A_65 : vector<256x2048xf32>
    %add3A_68 = vector.broadcast %dot_general3A_60 : vector<1x2048xf32> to vector<256x2048xf32>
    %add3A_69 = arith.addf %sub3A_67, %add3A_68 : vector<256x2048xf32>
    %reduce_min3A_70 = arith.constant dense<0x7F800000> : vector<256xf32>
    %reduce_min3A_71 = vector.multi_reduction <minimumf>, %add3A_69, %reduce_min3A_70 [1] : vector<256x2048xf32> to vector<256xf32>
    %broadcast_in_dim3A_72 = vector.shape_cast %reduce_min3A_71 : vector<256xf32> to vector<256x1xf32>
    %iota3A_73 = tpu.iota {dimensions = array<i32: 1>} : vector<256x2048xi32>
    %add3A_74 = arith.constant 2048 : i32
    %add3A_75 = vector.broadcast %add3A_74 : i32 to vector<256x2048xi32>
    %add3A_76 = arith.addi %iota3A_73, %add3A_75 : vector<256x2048xi32>
    %le3A_77 = vector.broadcast %broadcast_in_dim3A_72 : vector<256x1xf32> to vector<256x2048xf32>
    %le3A_78 = arith.cmpf ole, %add3A_69, %le3A_77 : vector<256x2048xf32>
    %jit3A_79 = arith.constant 1073741824 : i32
    %broadcast_in_dim3A_80 = vector.broadcast %jit3A_79 : i32 to vector<256x2048xi32>
    %select_n3A_81 = arith.select %le3A_78, %add3A_76, %broadcast_in_dim3A_80 : vector<256x2048xi1>, vector<256x2048xi32>
    %reduce_min3A_82 = arith.constant dense<2147483647> : vector<256xi32>
    %reduce_min3A_83 = vector.multi_reduction <minsi>, %select_n3A_81, %reduce_min3A_82 [1] : vector<256x2048xi32> to vector<256xi32>
    %squeeze3A_84 = vector.shape_cast %broadcast_in_dim3A_72 : vector<256x1xf32> to vector<256xf32>
    %lt3A_85 = arith.cmpf olt, %squeeze3A_84, %select_n3A_54 : vector<256xf32>
    %select_n3A_86 = arith.select %lt3A_85, %reduce_min3A_83, %select_n3A_53 : vector<256xi1>, vector<256xi32>
    %select_n3A_87 = arith.select %lt3A_85, %squeeze3A_84, %select_n3A_54 : vector<256xi1>, vector<256xf32>
    %get3A_88 = arith.constant 4096 : index
    %get3A_89 = arith.constant 0 : index
    %get3A_90 = vector.load %arg6[%get3A_88, %get3A_89] : memref<8192x64xf32, #tpu.memory_space<vmem>>, vector<2048x64xf32>
    %mul3A_91 = arith.mulf %get3A_90, %get3A_90 : vector<2048x64xf32>
    %dot_general3A_92 = arith.constant dense<0.000000e+00> : vector<1x2048xf32>
    %dot_general3A_93 = tpu.matmul %broadcast_in_dim3A_29, %mul3A_91, %dot_general3A_92 {dimension_numbers = #tpu.dot_dimension_numbers<[1], [1], [0], [0], [0, 0, 1, 0], [], []>, transpose_lhs_hint = false} : vector<1x64xf32>, vector<2048x64xf32>, vector<1x2048xf32> -> vector<1x2048xf32>
    %dot_general3A_94 = arith.constant dense<0.000000e+00> : vector<256x2048xf32>
    %dot_general3A_95 = tpu.matmul %convert_element_type3A_23, %get3A_90, %dot_general3A_94 {dimension_numbers = #tpu.dot_dimension_numbers<[1], [1], [0], [0], [0, 0, 1, 0], [], []>, transpose_lhs_hint = false} : vector<256x64xf32>, vector<2048x64xf32>, vector<256x2048xf32> -> vector<256x2048xf32>
    %mul3A_96 = arith.constant 2.000000e+00 : f32
    %mul3A_97 = vector.broadcast %mul3A_96 : f32 to vector<256x2048xf32>
    %mul3A_98 = arith.mulf %mul3A_97, %dot_general3A_95 : vector<256x2048xf32>
    %sub3A_99 = vector.broadcast %broadcast_in_dim3A : vector<256x1xf32> to vector<256x2048xf32>
    %sub3A_100 = arith.subf %sub3A_99, %mul3A_98 : vector<256x2048xf32>
    %add3A_101 = vector.broadcast %dot_general3A_93 : vector<1x2048xf32> to vector<256x2048xf32>
    %add3A_102 = arith.addf %sub3A_100, %add3A_101 : vector<256x2048xf32>
    %reduce_min3A_103 = arith.constant dense<0x7F800000> : vector<256xf32>
    %reduce_min3A_104 = vector.multi_reduction <minimumf>, %add3A_102, %reduce_min3A_103 [1] : vector<256x2048xf32> to vector<256xf32>
    %broadcast_in_dim3A_105 = vector.shape_cast %reduce_min3A_104 : vector<256xf32> to vector<256x1xf32>
    %iota3A_106 = tpu.iota {dimensions = array<i32: 1>} : vector<256x2048xi32>
    %add3A_107 = arith.constant 4096 : i32
    %add3A_108 = vector.broadcast %add3A_107 : i32 to vector<256x2048xi32>
    %add3A_109 = arith.addi %iota3A_106, %add3A_108 : vector<256x2048xi32>
    %le3A_110 = vector.broadcast %broadcast_in_dim3A_105 : vector<256x1xf32> to vector<256x2048xf32>
    %le3A_111 = arith.cmpf ole, %add3A_102, %le3A_110 : vector<256x2048xf32>
    %jit3A_112 = arith.constant 1073741824 : i32
    %broadcast_in_dim3A_113 = vector.broadcast %jit3A_112 : i32 to vector<256x2048xi32>
    %select_n3A_114 = arith.select %le3A_111, %add3A_109, %broadcast_in_dim3A_113 : vector<256x2048xi1>, vector<256x2048xi32>
    %reduce_min3A_115 = arith.constant dense<2147483647> : vector<256xi32>
    %reduce_min3A_116 = vector.multi_reduction <minsi>, %select_n3A_114, %reduce_min3A_115 [1] : vector<256x2048xi32> to vector<256xi32>
    %squeeze3A_117 = vector.shape_cast %broadcast_in_dim3A_105 : vector<256x1xf32> to vector<256xf32>
    %lt3A_118 = arith.cmpf olt, %squeeze3A_117, %select_n3A_87 : vector<256xf32>
    %select_n3A_119 = arith.select %lt3A_118, %reduce_min3A_116, %select_n3A_86 : vector<256xi1>, vector<256xi32>
    %select_n3A_120 = arith.select %lt3A_118, %squeeze3A_117, %select_n3A_87 : vector<256xi1>, vector<256xf32>
    %get3A_121 = arith.constant 6144 : index
    %get3A_122 = arith.constant 0 : index
    %get3A_123 = vector.load %arg6[%get3A_121, %get3A_122] : memref<8192x64xf32, #tpu.memory_space<vmem>>, vector<2048x64xf32>
    %mul3A_124 = arith.mulf %get3A_123, %get3A_123 : vector<2048x64xf32>
    %dot_general3A_125 = arith.constant dense<0.000000e+00> : vector<1x2048xf32>
    %dot_general3A_126 = tpu.matmul %broadcast_in_dim3A_29, %mul3A_124, %dot_general3A_125 {dimension_numbers = #tpu.dot_dimension_numbers<[1], [1], [0], [0], [0, 0, 1, 0], [], []>, transpose_lhs_hint = false} : vector<1x64xf32>, vector<2048x64xf32>, vector<1x2048xf32> -> vector<1x2048xf32>
    %dot_general3A_127 = arith.constant dense<0.000000e+00> : vector<256x2048xf32>
    %dot_general3A_128 = tpu.matmul %convert_element_type3A_23, %get3A_123, %dot_general3A_127 {dimension_numbers = #tpu.dot_dimension_numbers<[1], [1], [0], [0], [0, 0, 1, 0], [], []>, transpose_lhs_hint = false} : vector<256x64xf32>, vector<2048x64xf32>, vector<256x2048xf32> -> vector<256x2048xf32>
    %mul3A_129 = arith.constant 2.000000e+00 : f32
    %mul3A_130 = vector.broadcast %mul3A_129 : f32 to vector<256x2048xf32>
    %mul3A_131 = arith.mulf %mul3A_130, %dot_general3A_128 : vector<256x2048xf32>
    %sub3A_132 = vector.broadcast %broadcast_in_dim3A : vector<256x1xf32> to vector<256x2048xf32>
    %sub3A_133 = arith.subf %sub3A_132, %mul3A_131 : vector<256x2048xf32>
    %add3A_134 = vector.broadcast %dot_general3A_126 : vector<1x2048xf32> to vector<256x2048xf32>
    %add3A_135 = arith.addf %sub3A_133, %add3A_134 : vector<256x2048xf32>
    %reduce_min3A_136 = arith.constant dense<0x7F800000> : vector<256xf32>
    %reduce_min3A_137 = vector.multi_reduction <minimumf>, %add3A_135, %reduce_min3A_136 [1] : vector<256x2048xf32> to vector<256xf32>
    %broadcast_in_dim3A_138 = vector.shape_cast %reduce_min3A_137 : vector<256xf32> to vector<256x1xf32>
    %iota3A_139 = tpu.iota {dimensions = array<i32: 1>} : vector<256x2048xi32>
    %add3A_140 = arith.constant 6144 : i32
    %add3A_141 = vector.broadcast %add3A_140 : i32 to vector<256x2048xi32>
    %add3A_142 = arith.addi %iota3A_139, %add3A_141 : vector<256x2048xi32>
    %le3A_143 = vector.broadcast %broadcast_in_dim3A_138 : vector<256x1xf32> to vector<256x2048xf32>
    %le3A_144 = arith.cmpf ole, %add3A_135, %le3A_143 : vector<256x2048xf32>
    %jit3A_145 = arith.constant 1073741824 : i32
    %broadcast_in_dim3A_146 = vector.broadcast %jit3A_145 : i32 to vector<256x2048xi32>
    %select_n3A_147 = arith.select %le3A_144, %add3A_142, %broadcast_in_dim3A_146 : vector<256x2048xi1>, vector<256x2048xi32>
    %reduce_min3A_148 = arith.constant dense<2147483647> : vector<256xi32>
    %reduce_min3A_149 = vector.multi_reduction <minsi>, %select_n3A_147, %reduce_min3A_148 [1] : vector<256x2048xi32> to vector<256xi32>
    %squeeze3A_150 = vector.shape_cast %broadcast_in_dim3A_138 : vector<256x1xf32> to vector<256xf32>
    %lt3A_151 = arith.cmpf olt, %squeeze3A_150, %select_n3A_120 : vector<256xf32>
    %select_n3A_152 = arith.select %lt3A_151, %reduce_min3A_149, %select_n3A_119 : vector<256xi1>, vector<256xi32>
    %reshape3A = vector.shape_cast %select_n3A_152 : vector<256xi32> to vector<1x1x256xi32>
    %swap3A = arith.constant 0 : index
    %swap3A_153 = arith.constant 0 : index
    %swap3A_154 = arith.constant 0 : index
    %swap3A_155 = vector.load %arg7[%swap3A, %swap3A_153, %swap3A_154] : memref<1x1x256xi32, #tpu.memory_space<vmem>>, vector<1x1x256xi32>
    tpu.vector_store %arg7[%swap3A, %swap3A_153, %swap3A_154], %reshape3A {strides = array<i32>} : memref<1x1x256xi32, #tpu.memory_space<vmem>>, vector<1x1x256xi32>,
    return
  }
  func.func @transform_0(%arg0: i32) -> (i32, i32) {
    %c0_i32 = arith.constant 0 : i32
    %c0_i32_0 = arith.constant 0 : i32
    return %arg0, %c0_i32 : i32, i32
  }
  func.func @transform_1(%arg0: i32) -> (i32, i32) {
    %c0_i32 = arith.constant 0 : i32
    %c0_i32_0 = arith.constant 0 : i32
    %c0_i32_1 = arith.constant 0 : i32
    return %c0_i32, %c0_i32_0 : i32, i32
  }
  func.func @transform_2(%arg0: i32) -> (i32, i32) {
    %c0_i32 = arith.constant 0 : i32
    %c0_i32_0 = arith.constant 0 : i32
    %c0_i32_1 = arith.constant 0 : i32
    return %c0_i32, %c0_i32_0 : i32, i32
  }
  func.func @transform_3(%arg0: i32) -> (i32, i32) {
    %c0_i32 = arith.constant 0 : i32
    %c0_i32_0 = arith.constant 0 : i32
    %c0_i32_1 = arith.constant 0 : i32
    return %c0_i32, %c0_i32_0 : i32, i32
  }
  func.func @transform_4(%arg0: i32) -> (i32, i32) {
    %c0_i32 = arith.constant 0 : i32
    %c0_i32_0 = arith.constant 0 : i32
    %c0_i32_1 = arith.constant 0 : i32
    return %c0_i32, %c0_i32_0 : i32, i32
  }
  func.func @transform_5(%arg0: i32) -> (i32, i32) {
    %c0_i32 = arith.constant 0 : i32
    %c0_i32_0 = arith.constant 0 : i32
    %c0_i32_1 = arith.constant 0 : i32
    return %c0_i32, %c0_i32_0 : i32, i32
  }
  func.func @transform_6(%arg0: i32) -> (i32, i32, i32) {
    %c0_i32 = arith.constant 0 : i32
    %c0_i32_0 = arith.constant 0 : i32
    %c0_i32_1 = arith.constant 0 : i32
    return %arg0, %c0_i32, %c0_i32_0 : i32, i32, i32
  }
}

</mosaic_0001>

<sc_bundles>
// kernel: kernel.4.cloned.1.call-start
scs
__scs_entry_jumppad:
0x0: {  	(pc) =	sbr.rel $0x88, $3  }
0x1: {  	(tag) =	ssettag $0x0;
	lr =	simm.s32 $0x1  }
0x2: {  	[smem:$0x3F9B] =	sst lr;
	_ =	strace $0xD0000000  }
0x3: {  	_ = 	snop  }
0x4: {  	_ = 	snop  }
0x5: {  	_ = 	snop  }
0x6: {  	_ = 	snop  }
0x7: {  	_ = 	snop  }
__scs_overlays_trampoline_lowered:
0x8: {  	[smem:$0x3FAA] =	sst s0  }
0x9: {  	[smem:$0x3FAB] =	sst s1  }
0xa: {  	[smem:$0x3FAC] =	sst s2  }
0xb: {  	[smem:$0x3FAD] =	sst s3  }
0xc: {  	[smem:$0x3FAE] =	sst s4  }
0xd: {  	[smem:$0x3FAF] =	sst s5  }
0xe: {  	[smem:$0x3FB0] =	sst s6  }
0xf: {  	[smem:$0x3FB1] =	sst s7  }
0x10: {  	[smem:$0x3FB2] =	sst s8  }
0x11: {  	[smem:$0x3FB3] =	sst s9;
	s0 =	simm.s32 @!p0 $0x0  }
0x12: {  	s1 =	sld [smem:$0x3F99];
	s0 =	simm.s32 @p0 $0x1  }
0x13: {  	[smem:$0x3FB4] =	sst s0;
	s0 =	simm.s32 @!p1 $0x0  }
0x14: {  	s2 =	sld [smem:$0x3F98];
	s0 =	simm.s32 @p1 $0x1  }
0x15: {  	[smem:$0x3FB5] =	sst s0;
	s0 =	simm.s32 @!p2 $0x0  }
0x16: {  	s3 =	sld [smem:$0x3FDB];
	s0 =	simm.s32 @p2 $0x1  }
0x17: {  	s4 =	simm.s32 $0x1BF5;
	[smem:$0x3FB7] =	sst s0  }
0x18: {  	s0 =	sld [smem:$0x3F9A];
	_ =	swait.ge [sflag:s4], $0x0  }
0x19: {  	s7 =	sld [smem:$0x3F9B]  }
0x1a: {  	s8 =	sadd.s32 $0xFFFFE003, lr  }
0x1b: {  	s9 =	sadd.s32 $0xFFFFFEF7, lr;
	s5 =	simm.s32 $0xFFFFFFFF;
	p2 =	slt.u32 s8, $0xFFFFF086  }
0x1c: {  	p1 =	slt.u32 s9, $0xF7A;
	s5 =	simm.s32 @!p2 $0x0  }
0x1d: {  	s5 =	simm.s32 @p1 $0x1;
	p0 =	seq.s32 s7, s2  }
0x1e: {  	s7 =	smul.u32 @!p0 $0xF7A, s2;
	p2 =	seq.s32 @!p0 s5, $0x0  }
0x1f: {  	s9 =	smul.u32 $0xF7A, s1;
	s8 =	simm.s32 @!p0 $0x1BF5;
	p2 =	por !p2, p0  }
0x20: {  	[sflag:s8] =	ssyncset.s32 @!p0 $0xFFFFF086;
	s6 =	sadd.s32 @!p0 s3, s7;
	s7 =	simm.s32 @!p0 $0x108  }
0x21: {  	s3 =	sadd.s32 s3, s9;
	s6 =	sadd.s32 @!p0 $0x88, s6;
	s7 =	simm.s32 @p2 $0x1082  }
0x22: {  	[simem:s7], [sflag:s8] =	dma.local @!p0 [hbm:s6], $0xF7A  }
0x23: {  	s9 =	sor.u32 $0xD0000000, s2;
	s6 =	simm.s32 $0x108;
	_ =	swait.ge @!p0 [sflag:s8], $0x0  }
0x24: {  	s3 =	sadd.s32 $0x88, s3;
	s6 =	simm.s32 @!p1 $0x1082;
	[sflag:s4] =	ssyncset.s32 $0xFFFFF086  }
0x25: {  	[simem:s6], [sflag:s4] =	dma.local [hbm:s3], $0xF7A  }
0x26: {  	[smem:$0x3F9B] =	sst s1;
	(tag) =	ssettag s2;
	_ =	strace s9  }
0x27: {  	s1 =	sld [smem:$0x3FAB]  }
0x28: {  	s2 =	sld [smem:$0x3FAC]  }
0x29: {  	s4 =	sld [smem:$0x3FAE]  }
0x2a: {  	p0 =	seq.s32 s5, $0x0;
	s5 =	sld [smem:$0x3FAF]  }
0x2b: {  	s6 =	sld [smem:$0x3FB0]  }
0x2c: {  	s7 =	sld [smem:$0x3FB1]  }
0x2d: {  	s3 =	simm.s32 $0x108;
	s8 =	sld [smem:$0x3FB2]  }
0x2e: {  	s3 =	simm.s32 @!p0 $0x1082;
	s9 =	sld [smem:$0x3FB3]  }
0x2f: {  	lr =	sadd.s32 s0, s3;
	s0 =	sld [smem:$0x3FAA]  }
0x30: {  	s3 =	sld [smem:$0x3FAD]  }
0x31: {  	[smem:$0x3FB6] =	sst s10  }
0x32: {  	s10 =	sld [smem:$0x3FB4];
	_ =	sdelay $0x3  }
0x33: {  	p0 =	seq.s32 s10, $0x1;
	s10 =	sld [smem:$0x3FB6];
	_ =	sdelay $0x3  }
0x34: {  	[smem:$0x3FB6] =	sst s10  }
0x35: {  	s10 =	sld [smem:$0x3FB5];
	_ =	sdelay $0x3  }
0x36: {  	p1 =	seq.s32 s10, $0x1;
	s10 =	sld [smem:$0x3FB6];
	_ =	sdelay $0x3  }
0x37: {  	[smem:$0x3FB6] =	sst s10  }
0x38: {  	s10 =	sld [smem:$0x3FB7]  }
0x39: {  	_ = 	snop;
	(pc) =	sbr.ind lr, $3  }
0x3a: {  	_ = 	snop  }
0x3b: {  	_ = 	snop  }
0x3c: {  	p2 =	seq.s32 s10, $0x1;
	s10 =	sld [smem:$0x3FB6]  }
0x3d: {  	_ =	shalt  }
0x3e: {  	_ =	shalt  }
0x3f: {  	_ =	shalt  }
0x40: {  	_ =	shalt  }
0x41: {  	_ =	shalt  }
0x42: {  	_ =	shalt  }
0x43: {  	_ =	shalt  }
0x44: {  	_ =	shalt  }
0x45: {  	_ =	shalt  }
0x46: {  	_ =	shalt  }
0x47: {  	_ =	shalt  }
0x48: {  	_ =	shalt  }
0x49: {  	_ =	shalt  }
0x4a: {  	_ =	shalt  }
0x4b: {  	_ =	shalt  }
0x4c: {  	_ =	shalt  }
0x4d: {  	_ =	shalt  }
0x4e: {  	_ =	shalt  }
0x4f: {  	_ =	shalt  }
0x50: {  	_ =	shalt  }
0x51: {  	_ =	shalt  }
0x52: {  	_ =	shalt  }
0x53: {  	_ =	shalt  }
0x54: {  	_ =	shalt  }
0x55: {  	_ =	shalt  }
0x56: {  	_ =	shalt  }
0x57: {  	_ =	shalt  }
0x58: {  	_ =	shalt  }
0x59: {  	_ =	shalt  }
0x5a: {  	_ =	shalt  }
0x5b: {  	_ =	shalt  }
0x5c: {  	_ =	shalt  }
0x5d: {  	_ =	shalt  }
0x5e: {  	_ =	shalt  }
0x5f: {  	_ =	shalt  }
0x60: {  	_ =	shalt  }
0x61: {  	_ =	shalt  }
0x62: {  	_ =	shalt  }
0x63: {  	_ =	shalt  }
0x64: {  	_ =	shalt  }
0x65: {  	_ =	shalt  }
0x66: {  	_ =	shalt  }
0x67: {  	_ =	shalt  }
0x68: {  	_ =	shalt  }
0x69: {  	_ =	shalt  }
0x6a: {  	_ =	shalt  }
0x6b: {  	_ =	shalt  }
0x6c: {  	_ =	shalt  }
0x6d: {  	_ =	shalt  }
0x6e: {  	_ =	shalt  }
0x6f: {  	_ =	shalt  }
0x70: {  	_ =	shalt  }
0x71: {  	_ =	shalt  }
0x72: {  	_ =	shalt  }
0x73: {  	_ =	shalt  }
0x74: {  	_ =	shalt  }
0x75: {  	_ =	shalt  }
0x76: {  	_ =	shalt  }
0x77: {  	_ =	shalt  }
0x78: {  	_ =	shalt  }
0x79: {  	_ =	shalt  }
0x7a: {  	_ =	shalt  }
0x7b: {  	_ =	shalt  }
0x7c: {  	_ =	shalt  }
0x7d: {  	_ =	shalt  }
0x7e: {  	_ =	shalt  }
0x7f: {  	_ =	shalt  }
0x80: {  	_ =	shalt  }
0x81: {  	_ =	shalt  }
0x82: {  	_ =	shalt  }
0x83: {  	_ =	shalt  }
0x84: {  	_ =	shalt  }
0x85: {  	_ =	shalt  }
0x86: {  	_ =	shalt  }
0x87: {  	_ =	shalt  }
.Lfunc_end0:
.L_simem_size_0:
called_computation_lowered:
.L_overlay_start_0:
0x88: {  	s2 =	sld [smem:$0x3FD9]  }
0x89: {  	s3 =	sld [smem:$0x3FFE];
	_ =	sdelay $0x1  }
0x8a: {  	s1 =	srdreg.scid  }
0x8b: {  	s0 =	sand.u32 $0x1, s1  }
0x8c: {  	s14 =	sshll.u32 s0, $0xA;
	s2 =	sadd.s32 s3, s2  }
0x8d: {  	s2 =	sadd.s32 s2, s14  }
0x8e: {  	[smem:$0x3FC2] =	sst s2  }
0x8f: {  	_ = 	snop  }
0x90: {  	s2 =	sld [smem:$0x3FD0];
	_ =	sdelay $0x2  }
0x91: {  	s15 =	simm.s32 $0xA;
	s4 =	simm.s32 $0x10  }
0x92: {  	[smem:s4], [sflag:s15] =	dma.local [hbm:s2], $0x1  }
0x93: {  	_ =	swait.eq [sflag:s15], $0x1  }
0x94: {  	[sflag:s15] =	ssyncset.done $0x0  }
0x95: {  	[sflag:s15] =	ssyncadd.s32 $0xFFFFFFFF  }
0x96: {  	s16 =	sld [smem:$0x10];
	(tm) =	ssettm $0x1  }
0x97: {  	s17 =	sld [smem:$0x3FFB];
	_ =	sdelay $0x3  }
0x98: {  	_ =	strace s17  }
0x99: {  	s3 =	sld [smem:$0x3FFC];
	_ =	sdelay $0x3  }
0x9a: {  	_ =	strace s3  }
0x9b: {  	s3 =	sld [smem:$0x3FFD];
	_ =	sdelay $0x3  }
0x9c: {  	_ =	strace s3  }
0x9d: {  	_ =	strace $0x8FFFFFFF  }
0x9e: {  	s18 =	sld [smem:$0x3FDB];
	_ =	sdelay $0x1  }
0x9f: {  	s19 =	simm.s32 $_scs_section_size  }
0xa0: {  	s5 =	simm.s32 $_size__tile_overlayer_lowered;
	s6 =	simm.s32 $_tile_overlayer_lowered  }
0xa1: {  	s22 =	simm.s32 $0x1BFF;
	s21 =	sshll.u32 s6, $0x1;
	s3 =	sadd.s32 s19, s18  }
0xa2: {  	s7 =	simm.s32 $0x0;
	s20 =	sshll.u32 s5, $0x1;
	s5 =	sadd.s32 s21, s3  }
0xa3: {  	[timem:s7], [sflag:s22] =	dma.local [hbm:s5], s20  }
0xa4: {  	_ =	swait.ge [sflag:s22], s20  }
0xa5: {  	s4 =	ssub.s32 $0x0, s20;
	[sflag:s22] =	ssyncset.done $0x0  }
0xa6: {  	[sflag:s22] =	ssyncadd.s32 s4;
	_ =	sdelay $0x1  }
0xa7: {  	s23 =	simm.s32 $0x1B8B  }
0xa8: {  	_ =	swait.ge [sflag:s23], $0x1  }
0xa9: {  	[sflag:s23] =	ssyncset.done $0x0  }
0xaa: {  	s25 =	simm.s32 $0x1B8E;
	s24 =	sld [smem:$0x3FFE];
	[sflag:s23] =	ssyncadd.s32 $0xFFFFFFFF  }
0xab: {  	s26 =	simm.s32 $execute0_lowered;
	[smem:$0x3FD2] =	sst s25  }
0xac: {  	s5 =	sshll.u32 s26, $0x1;
	_ =	strace $0x80000046;
	[dreg:$0x1] =	wrdreg $0xFFFFFFFF  }
0xad: {  	s28 =	simm.s32 $_size_execute0_lowered;
	s3 =	sadd.s32 s3, s5;
	[dreg:$0x0] =	wrdreg $0x0  }
0xae: {  	s5 =	sshll.u32 s28, $0x1;
	[dreg:$0x2] =	wrdreg s3  }
0xaf: {  	[dreg:$0x3] =	wrdreg s5  }
0xb0: {  	[dreg:$0x4] =	wrdreg $0xC0  }
0xb1: {  	_ =	task [dreg:s7], $0x5FFFF  }
0xb2: {  	[dreg:$0x1] =	wrdreg $0xFFFFFFFF  }
0xb3: {  	[dreg:$0x0] =	wrdreg $0x60  }
0xb4: {  	[dreg:$0x2] =	wrdreg s16  }
0xb5: {  	[dreg:$0x3] =	wrdreg s24  }
0xb6: {  	[dreg:$0x4] =	wrdreg $0x9  }
0xb7: {  	_ =	task.clear_ibuf [dreg:s7], $0x5FFFF;
	_ =	strace $0x90000046  }
0xb8: {  	s29 =	simm.s32 $0x9;
	_ =	strace $0x80000048  }
0xb9: {  	_ =	swait.ge [sflag:s29], $0x1  }
0xba: {  	[sflag:s29] =	ssyncadd.s32 $0xFFFFFFFF  }
0xbb: {  	_ =	strace $0x90000048  }
0xbc: {  	_ =	sfence  }
0xbd: {  	s30 =	sld [smem:$0x0];
	_ =	sdelay $0x2  }
0xbe: {  	s31 =	sshll.u32 s1, $0xD;
	s1 =	sshrl.u32 s1, $0x2  }
0xbf: {  	s3 =	sand.u32 $0x4000, s31;
	s1 =	sadd.s32 s1, s30  }
0xc0: {  	s0 =	sor.u32 s3, s0;
	s1 =	sshll.u32 s1, $0x11  }
0xc1: {  	s0 =	sor.u32 s1, s0  }
0xc2: {  	s0 =	sadd.s32 $0x8F2B, s0  }
0xc3: {  	[sflag:s0] =	ssyncadd.remote.s32 $0x1  }
0xc4: {  	_ =	sfence.sel $0xFFFF  }
0xc5: {  	[dreg:$0x0] =	wrdreg $0xFFFFFFFF;
	(pc) =	sbr.abs _section_cstart, $3  }
0xc6: {  	[dreg:$0x1] =	wrdreg $0xFFFFFFFF  }
0xc7: {  	_ =	task.clear_ibuf [dreg:s7], $0x2FFFF;
	_ =	strace $0x9FFFFFFF  }
0xc8: {  	(tm) =	ssettm $0x7FFFFFFF  }
0xc9: {  	_ =	shalt  }
tec
execute0_lowered:
.L_overlay_start_1:
0x0: {  	(tag) =	ssettag $0x1  }
0x1: {  	s1 =	srdreg.scid  }
0x2: {  	s0 =	stileid.u32;
	s6 =	sand.u32 $0x1, s1  }
0x3: {  	s2 =	rddreg [dreg:$0x0];
	s30 =	sshll.u32 s0, $0xA;
	s3 =	sshll.u32 s6, $0x9  }
0x4: {  	s8 =	rddreg [dreg:$0x1];
	s7 =	simm.s32 $0x1;
	s9 =	sor.u32 s3, s30  }
0x5: {  	s1 =	rddreg [dreg:$0x2];
	s3 =	simm.s32 $0x0;
	s4 =	sshrl.u32 s9, $0x3  }
0x6: {  	s10 =	ssub.s32 $0x2, s6;
	[smem:$0x7FF] =	sst s3;
	s4 =	sadd.s32 s4, s8  }
0x7: {  	_ =	strace $0x80000047;
	s5 =	sadd.s32 $0xE00, s4;
	s4 =	simm.s32 $0x2  }
0x8: {  	[tilespmem:s3], [sflag:$0x2] =	stream.linear.gather [hbm4b:s5+s3], $0x200, $0x38;
	[tilespmem:$0x10200] =	vst v63  }
0x9: {  	s6 =	simm.s32 $0x200;
	s11 =	sshrl.u32 s10, $0x1;
	_ =	swait.ge [sflag:s4], $0x200  }
0xa: {  	s9 =	sshll.u32 s9, $0x4;
	s31 =	ssub.s32 s10, s11;
	[sflag:s4] =	ssyncset.done $0x0  }
0xb: {  	s8 =	sadd.s32 s9, s8;
	s9 =	smax.u32 s31, $0x1;
	[sflag:s4] =	ssyncadd.s32 $0xFFFFFE00  }
0xc: {  	[tilespmem:s6], [sflag:$0x1] =	stream.indirect.gather [hbm4b:s2+s6], $0x80, s3, s6, $0xb8;
	[tilespmem:$0x10200] =	vst v63  }
0xd: {  	p0 =	sne.s32 s9, $0x1;
	_ =	swait.ge [sflag:s7], $0x10000  }
.Ltmp0:
0xe: {  	[sflag:s7] =	ssyncset.done $0x0;
	(pc) =	sbr.rel @!p0 .LBB2_2-.Ltmp0, $4  }
0xf: {  	s8 =	sadd.s32 $0x1600, s8;
	[sflag:s7] =	ssyncadd.s32 $0xFFFF0000  }
0x10: {  	[hbm4b:s8+s3] =	stream.linear.scatter [tilespmem:s6], [sflag:$0x2], $0x10000, $0x38;
	[tilespmem:$0x10200] =	vst v63  }
0x11: {  	_ =	swait.ge [sflag:s4], $0x10000  }
0x12: {  	s9 =	sadd.s32 $0xFFFFFFFF, s9;
	[sflag:s4] =	ssyncset.done $0x0  }
.LBB2_1:
0x13: {  	p0 =	sne.s32 s9, $0x1;
	s9 =	sadd.s32 $0xFFFFFFFF, s9;
	[sflag:s4] =	ssyncadd.s32 $0xFFFF0000  }
0x14: {  	[tilespmem:s3], [sflag:$0x2] =	stream.linear.gather [hbm4b:s5+s3], $0x200, $0x38;
	[tilespmem:$0x10200] =	vst v63  }
0x15: {  	_ =	swait.ge [sflag:s4], $0x200  }
0x16: {  	[sflag:s4] =	ssyncset.done $0x0  }
0x17: {  	[sflag:s4] =	ssyncadd.s32 $0xFFFFFE00  }
0x18: {  	[tilespmem:s6], [sflag:$0x1] =	stream.indirect.gather [hbm4b:s2+s6], $0x80, s3, s6, $0xb8;
	[tilespmem:$0x10200] =	vst v63  }
0x19: {  	_ =	swait.ge [sflag:s7], $0x10000  }
.Ltmp1:
0x1a: {  	[sflag:s7] =	ssyncset.done $0x0;
	(pc) =	sbr.rel @p0 .LBB2_1-.Ltmp1, $4  }
0x1b: {  	[sflag:s7] =	ssyncadd.s32 $0xFFFF0000  }
0x1c: {  	[hbm4b:s8+s3] =	stream.linear.scatter [tilespmem:s6], [sflag:$0x2], $0x10000, $0x38;
	[tilespmem:$0x10200] =	vst v63  }
0x1d: {  	_ =	swait.ge [sflag:s4], $0x10000  }
0x1e: {  	[sflag:s4] =	ssyncset.done $0x0  }
.LBB2_2:
0x1f: {  	[sflag:s4] =	ssyncadd.s32 $0xFFFF0000  }
0x20: {  	_ =	sfence.sel $0x180000  }
0x21: {  	[bflag:$0x0] =	sbarrier.arrive $0xFFFF  }
0x22: {  	p0 =	sne.s32 s0, $0x0;
	_ =	strace $0x90000047  }
0x23: {  	s0 =	sadd.s32 @!p0 $0x100000, s1;
	[bflag:$0x2] =	sbarrier.arrive $0xFFFF  }
0x24: {  	[sflag:s0] =	ssyncadd.tile.s32 @!p0 $0x1;
	_ =	shalt  }
.Lfunc_end2:
_tile_overlayer_lowered:
.L_overlay_start_2:
0x25: {  	(tag) =	ssettag $0x2  }
0x26: {  	s0 =	rddreg [dreg:$0x0];
	s2 =	stileid.u32  }
0x27: {  	s1 =	rddreg [dreg:$0x1];
	p0 =	sne.s32 s2, $0x0  }
0x28: {  	s3 =	rddreg [dreg:$0x2];
	[bflag:$0x3] =	sbarrier.arrive $0xFFFF;
	s2 =	simm.s32 @!p0 $0x1C02  }
0x29: {  	[timem:s3], [sflag:s2] =	dma.local @!p0 [hbm:s0], s1  }
0x2a: {  	s0 =	simm.s32 @!p0 $0x2  }
0x2b: {  	_ =	swait.ge @!p0 [sflag:s0], s1  }
0x2c: {  	s1 =	ssub.s32 @!p0 $0x0, s1;
	[sflag:s0] =	ssyncset.done @!p0 $0x0  }
0x2d: {  	[sflag:s0] =	ssyncadd.s32 @!p0 s1  }
0x2e: {  	[bflag:$0x3] =	sbarrier.arrive $0xFFFF  }
0x2f: {  	_ =	shalt  }

</sc_bundles>
